<compile_context>
chip_gen: v7x
topology: tpu7x:2x2x1
jax: 0.10.2.dev20260603
libtpu: 0.0.44.dev20260713+nightly
codegen_flags: <defaults>
</compile_context>

<pallas_src>
import functools

import jax
import jax.numpy as jnp
from jax import lax
from jax.experimental import pallas as pl
from jax.experimental.pallas import tpu as pltpu
from jax.experimental.pallas import tpu_sc as plsc

N_POSITION = 8192
D_MODEL = 1024
BATCH = 4
SEQ = 8192

NC, NS = 2, 16
NW = NC * NS
B_TOTAL = BATCH * SEQ
BPW = B_TOTAL // NW
R = 64
NCHUNK = BPW // R


@jax.jit
def _sc_gather(x_r, table):
    mesh = plsc.VectorSubcoreMesh(core_axis_name="c", subcore_axis_name="s")

    @functools.partial(
        pl.kernel,
        mesh=mesh,
        out_type=jax.ShapeDtypeStruct((B_TOTAL, D_MODEL), jnp.float32),
        scratch_types=[
            pltpu.VMEM((NCHUNK, R), jnp.int32),
            pltpu.VMEM((R, D_MODEL), jnp.float32),
            pltpu.SemaphoreType.DMA,
        ],
    )
    def k(x_hbm, table_hbm, out_hbm, idx_v, rows_v, sem):
        wid = lax.axis_index("s") * NC + lax.axis_index("c")
        base = wid * BPW
        pltpu.sync_copy(x_hbm.at[wid], idx_v)

        def body(c, carry):
            pltpu.async_copy(table_hbm.at[idx_v.at[c]], rows_v, sem).wait()
            pltpu.sync_copy(rows_v, out_hbm.at[pl.ds(base + c * R, R)])
            return carry

        lax.fori_loop(0, NCHUNK, body, 0)

    return k(x_r, table)


def kernel(x, table):
    x_r = x.reshape(NW, NCHUNK, R)
    out = _sc_gather(x_r, table)
    return out.reshape(BATCH, SEQ, D_MODEL)

# --- scband reference (transcript-rebuilt; emitter-appended) ---
"""Pipeline reference for scband-positional-encoding-56332791054636 (READ-ONLY COPY).

The authoritative reference and input builder live on the scoring server;
editing this copy changes nothing except your own understanding.
"""

import jax, jax.numpy as jnp
import numpy as np

N_POSITION = 8192
D_MODEL = 1024


def get_sinusoid_encoding_table(n_position, d_model, padding_idx=None):
    pos = np.arange(n_position, dtype=np.float64)[:, None]
    j = np.arange(d_model, dtype=np.float64)[None, :]
    angle = pos / np.power(10000.0, 2.0 * np.floor(j / 2.0) / d_model)
    table = np.zeros_like(angle)
    table[:, 0::2] = np.sin(angle[:, 0::2])
    table[:, 1::2] = np.cos(angle[:, 1::2])
    if padding_idx is not None:
        table[padding_idx] = 0.0
    return jnp.asarray(table, dtype=jnp.float32)


def setup_inputs(seed: int = 0) -> dict:
    key = jax.random.key(seed)
    k1, _ = jax.random.split(key)
    x = jax.random.randint(k1, (4, 8192), 0, N_POSITION, dtype=jnp.int64 if jax.config.jax_enable_x64 else jnp.int32)
    table = get_sinusoid_encoding_table(N_POSITION, D_MODEL, padding_idx=0)
    return {"x": x, "table": table}


def reference(x, table):
    # PositionalEncoding.forward: frozen embedding lookup of sinusoid table
    pos = jnp.take(table, x, axis=0)
    return pos

if __name__ == "__main__":
    import jax
    _d = setup_inputs()
    print(jax.jit(kernel)(*tuple(_d.values())))

</pallas_src>

<mosaic_0001>
#map = affine_map<(d0, d1) -> (0, 0, 0)>
#map1 = affine_map<(d0, d1) -> (0, 0)>
module attributes {stable_mosaic.version = 14 : i64} {
  func.func @k(%arg0: i32, %arg1: i32, %arg2: memref<32x16x64xi32, #tpu.memory_space<hbm>>, %arg3: memref<8192x1024xf32, #tpu.memory_space<hbm>>, %arg4: memref<32768x1024xf32, #tpu.memory_space<hbm>>, %arg5: memref<16x64xi32, #tpu.memory_space<vmem>>, %arg6: memref<64x1024xf32, #tpu.memory_space<vmem>>, %arg7: memref<!tpu.dma_semaphore, #tpu.memory_space<semaphore_mem>>) attributes {dimension_semantics = [#tpu.dimension_semantics<core_parallel>, #tpu.dimension_semantics<subcore_parallel>], iteration_bounds = array<i64: 2, 16>, scalar_prefetch = 0 : i64, scratch_operands = 3 : i64, tpu.core_type = #tpu.core_type<sc_vector_subcore>, window_params = [{transform_indices = #map}, {transform_indices = #map1}, {transform_indices = #map1}]} {
    %mul3A = arith.constant 2 : i32
    %mul3A_0 = arith.muli %arg1, %mul3A : i32
    %add3A = arith.addi %mul3A_0, %arg0 : i32
    %mul3A_1 = arith.constant 1024 : i32
    %mul3A_2 = arith.muli %add3A, %mul3A_1 : i32
    "tpu.region"() ({
      %run_scoped3A = tpu.sem_alloc : memref<!tpu.dma_semaphore, #tpu.memory_space<semaphore_mem>>
      %dma_start3A = arith.constant 0 : i32
      %dma_start3A_8 = arith.constant 0 : i32
      %dma_start3A_9 = tpu.memref_slice %arg2[%add3A, %dma_start3A, %dma_start3A_8] : memref<32x16x64xi32, #tpu.memory_space<hbm>> -> memref<1x16x64xi32, #tpu.memory_space<hbm>>
      %dma_start3A_10 = tpu.memref_squeeze %dma_start3A_9 : memref<1x16x64xi32, #tpu.memory_space<hbm>> -> memref<16x64xi32, #tpu.memory_space<hbm>>
      %dma_start3A_11 = arith.constant 0 : i32
      %dma_start3A_12 = arith.constant 0 : i32
      %dma_start3A_13 = tpu.memref_slice %arg2[%add3A, %dma_start3A_11, %dma_start3A_12] : memref<32x16x64xi32, #tpu.memory_space<hbm>> -> memref<1x16x64xi32, #tpu.memory_space<hbm>>
      %dma_start3A_14 = tpu.memref_squeeze %dma_start3A_13 : memref<1x16x64xi32, #tpu.memory_space<hbm>> -> memref<16x64xi32, #tpu.memory_space<hbm>>
      tpu.enqueue_dma source(%dma_start3A_14 : memref<16x64xi32, #tpu.memory_space<hbm>>) target(%arg5 : memref<16x64xi32, #tpu.memory_space<vmem>>) target_semaphore(%run_scoped3A : memref<!tpu.dma_semaphore, #tpu.memory_space<semaphore_mem>>)
      %dma_wait3A = arith.constant 0 : i32
      %dma_wait3A_15 = arith.constant 0 : i32
      %dma_wait3A_16 = tpu.memref_slice %arg2[%add3A, %dma_wait3A, %dma_wait3A_15] : memref<32x16x64xi32, #tpu.memory_space<hbm>> -> memref<1x16x64xi32, #tpu.memory_space<hbm>>
      %dma_wait3A_17 = tpu.memref_squeeze %dma_wait3A_16 : memref<1x16x64xi32, #tpu.memory_space<hbm>> -> memref<16x64xi32, #tpu.memory_space<hbm>>
      %dma_wait3A_18 = arith.constant 0 : i32
      %dma_wait3A_19 = arith.constant 0 : i32
      %dma_wait3A_20 = tpu.memref_slice %arg2[%add3A, %dma_wait3A_18, %dma_wait3A_19] : memref<32x16x64xi32, #tpu.memory_space<hbm>> -> memref<1x16x64xi32, #tpu.memory_space<hbm>>
      %dma_wait3A_21 = tpu.memref_squeeze %dma_wait3A_20 : memref<1x16x64xi32, #tpu.memory_space<hbm>> -> memref<16x64xi32, #tpu.memory_space<hbm>>
      tpu.wait_dma2 semaphore(%run_scoped3A : memref<!tpu.dma_semaphore, #tpu.memory_space<semaphore_mem>>) src(%dma_wait3A_21 : memref<16x64xi32, #tpu.memory_space<hbm>>) dst(%arg5 : memref<16x64xi32, #tpu.memory_space<vmem>>)
      tpu.yield
    }) : () -> ()
    %scan3A = arith.constant 0 : i32
    %scan3A_3 = arith.constant 0 : i32
    %scan3A_4 = arith.constant 16 : i32
    %scan3A_5 = arith.addi %scan3A_3, %scan3A_4 : i32
    %scan3A_6 = arith.constant 1 : i32
    scf.for %scan3A_8 = %scan3A_3 to %scan3A_5 step %scan3A_6  : i32 {
      %dma_start3A = arith.constant 0 : i32
      %dma_start3A_9 = tpu.memref_slice %arg5[%scan3A_8, %dma_start3A] : memref<16x64xi32, #tpu.memory_space<vmem>> -> memref<1x64xi32, #tpu.memory_space<vmem>>
      %dma_start3A_10 = tpu.memref_squeeze %dma_start3A_9 : memref<1x64xi32, #tpu.memory_space<vmem>> -> memref<64xi32, #tpu.memory_space<vmem>>
      %dma_start3A_11 = arith.constant 0 : i32
      %dma_start3A_12 = arith.constant 0 : i32
      %dma_start3A_13 = tpu.memref_slice %arg3[%dma_start3A_11, %dma_start3A_12] : memref<8192x1024xf32, #tpu.memory_space<hbm>> -> memref<8192x1024xf32, #tpu.memory_space<hbm>>
      tpu.enqueue_indirect_dma source(%dma_start3A_13 : memref<8192x1024xf32, #tpu.memory_space<hbm>>) target(%arg6 : memref<64x1024xf32, #tpu.memory_space<vmem>>) offsets(%dma_start3A_10 : memref<64xi32, #tpu.memory_space<vmem>>) semaphore(%arg7 : memref<!tpu.dma_semaphore, #tpu.memory_space<semaphore_mem>>)
      %dma_wait3A = arith.constant 0 : i32
      %dma_wait3A_14 = tpu.memref_slice %arg5[%scan3A_8, %dma_wait3A] : memref<16x64xi32, #tpu.memory_space<vmem>> -> memref<1x64xi32, #tpu.memory_space<vmem>>
      %dma_wait3A_15 = tpu.memref_squeeze %dma_wait3A_14 : memref<1x64xi32, #tpu.memory_space<vmem>> -> memref<64xi32, #tpu.memory_space<vmem>>
      %dma_wait3A_16 = arith.constant 0 : i32
      %dma_wait3A_17 = arith.constant 0 : i32
      %dma_wait3A_18 = tpu.memref_slice %arg3[%dma_wait3A_16, %dma_wait3A_17] : memref<8192x1024xf32, #tpu.memory_space<hbm>> -> memref<8192x1024xf32, #tpu.memory_space<hbm>>
      tpu.wait_indirect_dma semaphore(%arg7 : memref<!tpu.dma_semaphore, #tpu.memory_space<semaphore_mem>>) src(%dma_wait3A_18 : memref<8192x1024xf32, #tpu.memory_space<hbm>>) dst(%arg6 : memref<64x1024xf32, #tpu.memory_space<vmem>>)
      %mul3A_19 = arith.constant 64 : i32
      %mul3A_20 = arith.muli %scan3A_8, %mul3A_19 : i32
      %add3A_21 = arith.addi %mul3A_2, %mul3A_20 : i32
      "tpu.region"() ({
        %run_scoped3A = tpu.sem_alloc : memref<!tpu.dma_semaphore, #tpu.memory_space<semaphore_mem>>
        %dma_start3A_22 = arith.constant 0 : i32
        %dma_start3A_23 = tpu.memref_slice %arg4[%add3A_21, %dma_start3A_22] : memref<32768x1024xf32, #tpu.memory_space<hbm>> -> memref<64x1024xf32, #tpu.memory_space<hbm>>
        %dma_start3A_24 = arith.constant 0 : i32
        %dma_start3A_25 = tpu.memref_slice %arg4[%add3A_21, %dma_start3A_24] : memref<32768x1024xf32, #tpu.memory_space<hbm>> -> memref<64x1024xf32, #tpu.memory_space<hbm>>
        tpu.enqueue_dma source(%arg6 : memref<64x1024xf32, #tpu.memory_space<vmem>>) target(%dma_start3A_25 : memref<64x1024xf32, #tpu.memory_space<hbm>>) target_semaphore(%run_scoped3A : memref<!tpu.dma_semaphore, #tpu.memory_space<semaphore_mem>>)
        %dma_wait3A_26 = arith.constant 0 : i32
        %dma_wait3A_27 = tpu.memref_slice %arg4[%add3A_21, %dma_wait3A_26] : memref<32768x1024xf32, #tpu.memory_space<hbm>> -> memref<64x1024xf32, #tpu.memory_space<hbm>>
        %dma_wait3A_28 = arith.constant 0 : i32
        %dma_wait3A_29 = tpu.memref_slice %arg4[%add3A_21, %dma_wait3A_28] : memref<32768x1024xf32, #tpu.memory_space<hbm>> -> memref<64x1024xf32, #tpu.memory_space<hbm>>
        tpu.wait_dma2 semaphore(%run_scoped3A : memref<!tpu.dma_semaphore, #tpu.memory_space<semaphore_mem>>) src(%arg6 : memref<64x1024xf32, #tpu.memory_space<vmem>>) dst(%dma_wait3A_29 : memref<64x1024xf32, #tpu.memory_space<hbm>>)
        tpu.yield
      }) : () -> ()
    }
    %scan3A_7 = arith.constant 16 : i32
    return
  }
}

</mosaic_0001>

<sc_bundles>
// kernel: _sc_gather.3.cloned.1.call-start
scs
__scs_entry_jumppad:
0x0: {  	(pc) =	sbr.rel $0x88, $3  }
0x1: {  	(tag) =	ssettag $0x0;
	lr =	simm.s32 $0x1  }
0x2: {  	[smem:$0x3F9F] =	sst lr;
	_ =	strace $0xD0000000  }
0x3: {  	_ = 	snop  }
0x4: {  	_ = 	snop  }
0x5: {  	_ = 	snop  }
0x6: {  	_ = 	snop  }
0x7: {  	_ = 	snop  }
__scs_overlays_trampoline_lowered:
0x8: {  	[smem:$0x3FAE] =	sst s0  }
0x9: {  	[smem:$0x3FAF] =	sst s1  }
0xa: {  	[smem:$0x3FB0] =	sst s2  }
0xb: {  	[smem:$0x3FB1] =	sst s3  }
0xc: {  	[smem:$0x3FB2] =	sst s4  }
0xd: {  	[smem:$0x3FB3] =	sst s5  }
0xe: {  	[smem:$0x3FB4] =	sst s6  }
0xf: {  	[smem:$0x3FB5] =	sst s7  }
0x10: {  	[smem:$0x3FB6] =	sst s8  }
0x11: {  	[smem:$0x3FB7] =	sst s9;
	s0 =	simm.s32 @!p0 $0x0  }
0x12: {  	s1 =	sld [smem:$0x3F9D];
	s0 =	simm.s32 @p0 $0x1  }
0x13: {  	[smem:$0x3FB8] =	sst s0;
	s0 =	simm.s32 @!p1 $0x0  }
0x14: {  	s2 =	sld [smem:$0x3F9C];
	s0 =	simm.s32 @p1 $0x1  }
0x15: {  	[smem:$0x3FB9] =	sst s0;
	s0 =	simm.s32 @!p2 $0x0  }
0x16: {  	s3 =	sld [smem:$0x3FDB];
	s0 =	simm.s32 @p2 $0x1  }
0x17: {  	s4 =	simm.s32 $0x1BF5;
	[smem:$0x3FBB] =	sst s0  }
0x18: {  	s0 =	sld [smem:$0x3F9E];
	_ =	swait.ge [sflag:s4], $0x0  }
0x19: {  	s7 =	sld [smem:$0x3F9F]  }
0x1a: {  	s8 =	sadd.s32 $0xFFFFE003, lr  }
0x1b: {  	s9 =	sadd.s32 $0xFFFFFEF7, lr;
	s5 =	simm.s32 $0xFFFFFFFF;
	p2 =	slt.u32 s8, $0xFFFFF086  }
0x1c: {  	p1 =	slt.u32 s9, $0xF7A;
	s5 =	simm.s32 @!p2 $0x0  }
0x1d: {  	s5 =	simm.s32 @p1 $0x1;
	p0 =	seq.s32 s7, s2  }
0x1e: {  	s7 =	smul.u32 @!p0 $0xF7A, s2;
	p2 =	seq.s32 @!p0 s5, $0x0  }
0x1f: {  	s9 =	smul.u32 $0xF7A, s1;
	s8 =	simm.s32 @!p0 $0x1BF5;
	p2 =	por !p2, p0  }
0x20: {  	[sflag:s8] =	ssyncset.s32 @!p0 $0xFFFFF086;
	s6 =	sadd.s32 @!p0 s3, s7;
	s7 =	simm.s32 @!p0 $0x108  }
0x21: {  	s3 =	sadd.s32 s3, s9;
	s6 =	sadd.s32 @!p0 $0x88, s6;
	s7 =	simm.s32 @p2 $0x1082  }
0x22: {  	[simem:s7], [sflag:s8] =	dma.local @!p0 [hbm:s6], $0xF7A  }
0x23: {  	s9 =	sor.u32 $0xD0000000, s2;
	s6 =	simm.s32 $0x108;
	_ =	swait.ge @!p0 [sflag:s8], $0x0  }
0x24: {  	s3 =	sadd.s32 $0x88, s3;
	s6 =	simm.s32 @!p1 $0x1082;
	[sflag:s4] =	ssyncset.s32 $0xFFFFF086  }
0x25: {  	[simem:s6], [sflag:s4] =	dma.local [hbm:s3], $0xF7A  }
0x26: {  	[smem:$0x3F9F] =	sst s1;
	(tag) =	ssettag s2;
	_ =	strace s9  }
0x27: {  	s1 =	sld [smem:$0x3FAF]  }
0x28: {  	s2 =	sld [smem:$0x3FB0]  }
0x29: {  	s4 =	sld [smem:$0x3FB2]  }
0x2a: {  	p0 =	seq.s32 s5, $0x0;
	s5 =	sld [smem:$0x3FB3]  }
0x2b: {  	s6 =	sld [smem:$0x3FB4]  }
0x2c: {  	s7 =	sld [smem:$0x3FB5]  }
0x2d: {  	s3 =	simm.s32 $0x108;
	s8 =	sld [smem:$0x3FB6]  }
0x2e: {  	s3 =	simm.s32 @!p0 $0x1082;
	s9 =	sld [smem:$0x3FB7]  }
0x2f: {  	lr =	sadd.s32 s0, s3;
	s0 =	sld [smem:$0x3FAE]  }
0x30: {  	s3 =	sld [smem:$0x3FB1]  }
0x31: {  	[smem:$0x3FBA] =	sst s10  }
0x32: {  	s10 =	sld [smem:$0x3FB8];
	_ =	sdelay $0x3  }
0x33: {  	p0 =	seq.s32 s10, $0x1;
	s10 =	sld [smem:$0x3FBA];
	_ =	sdelay $0x3  }
0x34: {  	[smem:$0x3FBA] =	sst s10  }
0x35: {  	s10 =	sld [smem:$0x3FB9];
	_ =	sdelay $0x3  }
0x36: {  	p1 =	seq.s32 s10, $0x1;
	s10 =	sld [smem:$0x3FBA];
	_ =	sdelay $0x3  }
0x37: {  	[smem:$0x3FBA] =	sst s10  }
0x38: {  	s10 =	sld [smem:$0x3FBB]  }
0x39: {  	_ = 	snop;
	(pc) =	sbr.ind lr, $3  }
0x3a: {  	_ = 	snop  }
0x3b: {  	_ = 	snop  }
0x3c: {  	p2 =	seq.s32 s10, $0x1;
	s10 =	sld [smem:$0x3FBA]  }
0x3d: {  	_ =	shalt  }
0x3e: {  	_ =	shalt  }
0x3f: {  	_ =	shalt  }
0x40: {  	_ =	shalt  }
0x41: {  	_ =	shalt  }
0x42: {  	_ =	shalt  }
0x43: {  	_ =	shalt  }
0x44: {  	_ =	shalt  }
0x45: {  	_ =	shalt  }
0x46: {  	_ =	shalt  }
0x47: {  	_ =	shalt  }
0x48: {  	_ =	shalt  }
0x49: {  	_ =	shalt  }
0x4a: {  	_ =	shalt  }
0x4b: {  	_ =	shalt  }
0x4c: {  	_ =	shalt  }
0x4d: {  	_ =	shalt  }
0x4e: {  	_ =	shalt  }
0x4f: {  	_ =	shalt  }
0x50: {  	_ =	shalt  }
0x51: {  	_ =	shalt  }
0x52: {  	_ =	shalt  }
0x53: {  	_ =	shalt  }
0x54: {  	_ =	shalt  }
0x55: {  	_ =	shalt  }
0x56: {  	_ =	shalt  }
0x57: {  	_ =	shalt  }
0x58: {  	_ =	shalt  }
0x59: {  	_ =	shalt  }
0x5a: {  	_ =	shalt  }
0x5b: {  	_ =	shalt  }
0x5c: {  	_ =	shalt  }
0x5d: {  	_ =	shalt  }
0x5e: {  	_ =	shalt  }
0x5f: {  	_ =	shalt  }
0x60: {  	_ =	shalt  }
0x61: {  	_ =	shalt  }
0x62: {  	_ =	shalt  }
0x63: {  	_ =	shalt  }
0x64: {  	_ =	shalt  }
0x65: {  	_ =	shalt  }
0x66: {  	_ =	shalt  }
0x67: {  	_ =	shalt  }
0x68: {  	_ =	shalt  }
0x69: {  	_ =	shalt  }
0x6a: {  	_ =	shalt  }
0x6b: {  	_ =	shalt  }
0x6c: {  	_ =	shalt  }
0x6d: {  	_ =	shalt  }
0x6e: {  	_ =	shalt  }
0x6f: {  	_ =	shalt  }
0x70: {  	_ =	shalt  }
0x71: {  	_ =	shalt  }
0x72: {  	_ =	shalt  }
0x73: {  	_ =	shalt  }
0x74: {  	_ =	shalt  }
0x75: {  	_ =	shalt  }
0x76: {  	_ =	shalt  }
0x77: {  	_ =	shalt  }
0x78: {  	_ =	shalt  }
0x79: {  	_ =	shalt  }
0x7a: {  	_ =	shalt  }
0x7b: {  	_ =	shalt  }
0x7c: {  	_ =	shalt  }
0x7d: {  	_ =	shalt  }
0x7e: {  	_ =	shalt  }
0x7f: {  	_ =	shalt  }
0x80: {  	_ =	shalt  }
0x81: {  	_ =	shalt  }
0x82: {  	_ =	shalt  }
0x83: {  	_ =	shalt  }
0x84: {  	_ =	shalt  }
0x85: {  	_ =	shalt  }
0x86: {  	_ =	shalt  }
0x87: {  	_ =	shalt  }
.Lfunc_end0:
.L_simem_size_0:
called_computation_lowered:
.L_overlay_start_0:
0x88: {  	s2 =	sld [smem:$0x3FD9]  }
0x89: {  	s3 =	sld [smem:$0x3FFE];
	_ =	sdelay $0x1  }
0x8a: {  	s1 =	srdreg.scid  }
0x8b: {  	s0 =	sand.u32 $0x1, s1  }
0x8c: {  	s18 =	sshll.u32 s0, $0xA;
	s2 =	sadd.s32 s3, s2  }
0x8d: {  	s2 =	sadd.s32 s2, s18  }
0x8e: {  	[smem:$0x3FC6] =	sst s2  }
0x8f: {  	_ = 	snop  }
0x90: {  	s2 =	sld [smem:$0x3FC9]  }
0x91: {  	s19 =	sld [smem:$0x3FC8]  }
0x92: {  	s4 =	sld [smem:$0x3FD0];
	(tm) =	ssettm $0x1  }
0x93: {  	s5 =	sld [smem:$0x3FFB];
	_ =	sdelay $0x3  }
0x94: {  	_ =	strace s5  }
0x95: {  	s5 =	sld [smem:$0x3FFC];
	_ =	sdelay $0x3  }
0x96: {  	_ =	strace s5  }
0x97: {  	s5 =	sld [smem:$0x3FFD];
	_ =	sdelay $0x3  }
0x98: {  	_ =	strace s5  }
0x99: {  	_ =	strace $0x8FFFFFFF  }
0x9a: {  	s20 =	sld [smem:$0x3FDB];
	_ =	sdelay $0x1  }
0x9b: {  	s6 =	simm.s32 $_scs_section_size  }
0x9c: {  	s7 =	simm.s32 $_size__tile_overlayer_lowered;
	s8 =	simm.s32 $_tile_overlayer_lowered  }
0x9d: {  	s23 =	simm.s32 $0x1BFF;
	s22 =	sshll.u32 s8, $0x1;
	s5 =	sadd.s32 s6, s20  }
0x9e: {  	s9 =	simm.s32 $0x0;
	s21 =	sshll.u32 s7, $0x1;
	s7 =	sadd.s32 s22, s5  }
0x9f: {  	[timem:s9], [sflag:s23] =	dma.local [hbm:s7], s21  }
0xa0: {  	_ =	swait.ge [sflag:s23], s21  }
0xa1: {  	s6 =	ssub.s32 $0x0, s21;
	[sflag:s23] =	ssyncset.done $0x0  }
0xa2: {  	[sflag:s23] =	ssyncadd.s32 s6;
	_ =	sdelay $0x1  }
0xa3: {  	s24 =	simm.s32 $0x1B8B  }
0xa4: {  	_ =	swait.ge [sflag:s24], $0x1  }
0xa5: {  	[sflag:s24] =	ssyncset.done $0x0  }
0xa6: {  	s25 =	simm.s32 $0x1B8E;
	[sflag:s24] =	ssyncadd.s32 $0xFFFFFFFF  }
0xa7: {  	s26 =	simm.s32 $execute0_lowered;
	[smem:$0x3FD2] =	sst s25  }
0xa8: {  	s6 =	sshll.u32 s26, $0x1;
	_ =	strace $0x80000046;
	[dreg:$0x1] =	wrdreg $0xFFFFFFFF  }
0xa9: {  	s28 =	simm.s32 $_size_execute0_lowered;
	s5 =	sadd.s32 s5, s6;
	[dreg:$0x0] =	wrdreg $0x0  }
0xaa: {  	s6 =	sshll.u32 s28, $0x1;
	[dreg:$0x2] =	wrdreg s5  }
0xab: {  	[dreg:$0x3] =	wrdreg s6  }
0xac: {  	[dreg:$0x4] =	wrdreg $0xC0  }
0xad: {  	_ =	task [dreg:s9], $0x5FFFF  }
0xae: {  	[dreg:$0x1] =	wrdreg $0xFFFFFFFF  }
0xaf: {  	[dreg:$0x0] =	wrdreg $0x60  }
0xb0: {  	[dreg:$0x2] =	wrdreg s2  }
0xb1: {  	[dreg:$0x3] =	wrdreg s19  }
0xb2: {  	[dreg:$0x4] =	wrdreg s4  }
0xb3: {  	[dreg:$0x5] =	wrdreg $0x9  }
0xb4: {  	_ =	task.clear_ibuf [dreg:s9], $0x6FFFF;
	_ =	strace $0x90000046  }
0xb5: {  	s29 =	simm.s32 $0x9;
	_ =	strace $0x80000048  }
0xb6: {  	_ =	swait.ge [sflag:s29], $0x1  }
0xb7: {  	[sflag:s29] =	ssyncadd.s32 $0xFFFFFFFF  }
0xb8: {  	_ =	strace $0x90000048  }
0xb9: {  	_ =	sfence  }
0xba: {  	s30 =	sld [smem:$0x0];
	_ =	sdelay $0x2  }
0xbb: {  	s31 =	sshll.u32 s1, $0xD;
	s1 =	sshrl.u32 s1, $0x2  }
0xbc: {  	s3 =	sand.u32 $0x4000, s31;
	s1 =	sadd.s32 s1, s30  }
0xbd: {  	s0 =	sor.u32 s3, s0;
	s1 =	sshll.u32 s1, $0x11  }
0xbe: {  	s0 =	sor.u32 s1, s0  }
0xbf: {  	s0 =	sadd.s32 $0x8F2B, s0  }
0xc0: {  	[sflag:s0] =	ssyncadd.remote.s32 $0x1  }
0xc1: {  	_ =	sfence.sel $0xFFFF  }
0xc2: {  	[dreg:$0x0] =	wrdreg $0xFFFFFFFF;
	(pc) =	sbr.abs _section_cstart, $3  }
0xc3: {  	[dreg:$0x1] =	wrdreg $0xFFFFFFFF  }
0xc4: {  	_ =	task.clear_ibuf [dreg:s9], $0x2FFFF;
	_ =	strace $0x9FFFFFFF  }
0xc5: {  	(tm) =	ssettm $0x7FFFFFFF  }
tec
execute0_lowered:
.L_overlay_start_1:
0x0: {  	(tag) =	ssettag $0x1  }
0x1: {  	s0 =	rddreg [dreg:$0x0]  }
0x2: {  	s2 =	rddreg [dreg:$0x1]  }
0x3: {  	s1 =	rddreg [dreg:$0x2]  }
0x4: {  	s4 =	srdreg.scid;
	s7 =	stileid.u32;
	s3 =	simm.s32 $0x0  }
0x5: {  	s12 =	simm.s32 $0x1000;
	s13 =	simm.s32 $0x1800;
	[smem:$0x7FF] =	sst s3  }
0x6: {  	s14 =	simm.s32 $0x2000;
	_ =	strace $0x80000047;
	[dreg:$0x5] =	wrdreg s12  }
0x7: {  	s16 =	simm.s32 $0x2800;
	s17 =	simm.s32 $0x3000;
	[dreg:$0x6] =	wrdreg s13  }
0x8: {  	s18 =	simm.s32 $0x3800;
	s19 =	simm.s32 $0x4000;
	[dreg:$0x7] =	wrdreg s14  }
0x9: {  	s20 =	simm.s32 $0x4800;
	s21 =	simm.s32 $0x5000;
	[dreg:$0x8] =	wrdreg s16  }
0xa: {  	s22 =	simm.s32 $0x5800;
	s24 =	simm.s32 $0x6000;
	[dreg:$0x9] =	wrdreg s17  }
0xb: {  	s9 =	simm.s32 $0x2;
	s25 =	simm.s32 $0x6800;
	[dreg:$0xa] =	wrdreg s18  }
0xc: {  	s26 =	simm.s32 $0x7000;
	s28 =	simm.s32 $0xF800;
	[dreg:$0xb] =	wrdreg s19  }
0xd: {  	s29 =	simm.s32 $0x10000;
	s30 =	simm.s32 $0x1;
	[dreg:$0xc] =	wrdreg s20  }
0xe: {  	s31 =	simm.s32 $0x0;
	s4 =	sand.u32 $0x1, s4;
	[dreg:$0xd] =	wrdreg s21  }
0xf: {  	s5 =	sshll.u32 s7, $0x12;
	s15 =	sshll.u32 s7, $0x9;
	[dreg:$0xe] =	wrdreg s22  }
0x10: {  	s7 =	sadd.s32 $0x300, s2;
	s1 =	sadd.s32 s5, s1;
	[dreg:$0xf] =	wrdreg s24  }
0x11: {  	s10 =	sshll.u32 s4, $0x11;
	s11 =	ssub.s32 $0x2, s4;
	[dreg:$0x10] =	wrdreg s25  }
0x12: {  	s4 =	sshll.u32 s4, $0x8;
	s5 =	sadd.s32 $0x100, s2;
	[dreg:$0x11] =	wrdreg s26  }
0x13: {  	s12 =	simm.s32 $0x8000;
	s13 =	simm.s32 $0x8800;
	s14 =	simm.s32 $0x9000  }
0x14: {  	s16 =	simm.s32 $0xA000;
	s17 =	simm.s32 $0xA800;
	s18 =	simm.s32 $0xB000  }
0x15: {  	s19 =	simm.s32 $0xB800;
	s20 =	simm.s32 $0xC000;
	s21 =	simm.s32 $0xC800  }
0x16: {  	s22 =	simm.s32 $0xD000;
	s24 =	simm.s32 $0xE000;
	s25 =	simm.s32 $0xE800  }
0x17: {  	s26 =	simm.s32 $0xF000;
	s1 =	sadd.s32 s10, s1;
	s6 =	sshrl.u32 s11, $0x1  }
0x18: {  	s4 =	sor.u32 s4, s15;
	s10 =	simm.s32 $0x800;
	s15 =	simm.s32 $0x9800  }
0x19: {  	v2 =	vlaneseq.u32;
	[dreg:$0x4] =	wrdreg s1;
	s8 =	ssub.s32 s11, s6;
	s0 =	sadd.s32 s0, s4  }
0x1a: {  	vm0 =	vmmov $0xffff;
	v1 =	vshrl.u32 v2, $0x3;
	s6 =	sadd.s32 $0x200, s2;
	[dreg:$0x12] =	wrdreg s0;
	s23 =	smax.u32 s8, $0x1  }
0x1b: {  	v0 =	vand.u32 $0x7, v2;
	v2 =	vor.u32 $0x8, v2;
	v1 =	vmul.u32 $0x8, v1;
	s11 =	simm.s32 $0x7800;
	[dreg:$0x13] =	wrdreg s23;
	s23 =	simm.s32 $0xD800  }
.LBB2_1:
0x1c: {  	s0 =	rddreg [dreg:$0x12]  }
0x1d: {  	[tilespmem:s3], [sflag:$0x2] =	stream.linear.gather [hbm4b:s0+s3], $0x800, $0x38;
	[tilespmem:$0x10800] =	vst v63  }
0x1e: {  	_ =	swait.ge [sflag:s9], $0x800  }
0x1f: {  	[sflag:s9] =	ssyncset.done $0x0  }
0x20: {  	s1 =	simm.s32 $0x0;
	s0 =	simm.s32 $0x20;
	[sflag:s9] =	ssyncadd.s32 $0xFFFFF800  }
.LBB2_2:
0x21: {  	v3 =	vld [tilespmem:s0+$0xFFFFFFE0];
	_ =	sdelay $0x4  }
0x22: {  	v4 =	vshll.u32 v3, $0x3  }
0x23: {  	v3 =	vand.u32 $0x7, v3;
	v4 =	vand.u32 $0xFFFFFFC0, v4  }
0x24: {  	v3 =	vor.u32 v3, v4  }
0x25: {  	v4 =	vperm.xlane v3, v0;
	_ =	sdelay $0x1  }
0x26: {  	v4 =	vadd.s32 v1, v4;
	_ =	sdelay $0x4  }
0x27: {  	[tilespmem:s10], [sflag:$0x1] =	stream.indirect_vreg.gather [hbm4b:s2+s3], $0x80, v4, vm0, $0xb8;
	[tilespmem:$0x10800] =	vst v63  }
0x28: {  	s4 =	rddreg [dreg:$0x5];
	v3 =	vperm.xlane v3, v2  }
0x29: {  	[tilespmem:s4], [sflag:$0x1] =	stream.indirect_vreg.gather [hbm4b:s5+s3], $0x80, v4, vm0, $0xb8;
	[tilespmem:$0x10800] =	vst v63  }
0x2a: {  	s8 =	rddreg [dreg:$0x6];
	v3 =	vadd.s32 v1, v3  }
0x2b: {  	[tilespmem:s8], [sflag:$0x1] =	stream.indirect_vreg.gather [hbm4b:s6+s3], $0x80, v4, vm0, $0xb8;
	[tilespmem:$0x10800] =	vst v63  }
0x2c: {  	s4 =	rddreg [dreg:$0x7]  }
0x2d: {  	[tilespmem:s4], [sflag:$0x1] =	stream.indirect_vreg.gather [hbm4b:s7+s3], $0x80, v4, vm0, $0xb8;
	[tilespmem:$0x10800] =	vst v63  }
0x2e: {  	s8 =	rddreg [dreg:$0x8]  }
0x2f: {  	[tilespmem:s8], [sflag:$0x1] =	stream.indirect_vreg.gather [hbm4b:s2+s3], $0x80, v3, vm0, $0xb8;
	[tilespmem:$0x10800] =	vst v63  }
0x30: {  	s4 =	rddreg [dreg:$0x9]  }
0x31: {  	[tilespmem:s4], [sflag:$0x1] =	stream.indirect_vreg.gather [hbm4b:s5+s3], $0x80, v3, vm0, $0xb8;
	[tilespmem:$0x10800] =	vst v63  }
0x32: {  	s8 =	rddreg [dreg:$0xa]  }
0x33: {  	[tilespmem:s8], [sflag:$0x1] =	stream.indirect_vreg.gather [hbm4b:s6+s3], $0x80, v3, vm0, $0xb8;
	[tilespmem:$0x10800] =	vst v63  }
0x34: {  	s4 =	rddreg [dreg:$0xb]  }
0x35: {  	[tilespmem:s4], [sflag:$0x1] =	stream.indirect_vreg.gather [hbm4b:s7+s3], $0x80, v3, vm0, $0xb8;
	[tilespmem:$0x10800] =	vst v63  }
0x36: {  	v3 =	vld [tilespmem:s0+$0xFFFFFFF0];
	_ =	sdelay $0x4  }
0x37: {  	v61 =	vshll.u32 v3, $0x3  }
0x38: {  	v3 =	vand.u32 $0x7, v3;
	v4 =	vand.u32 $0xFFFFFFC0, v61  }
0x39: {  	v3 =	vor.u32 v3, v4  }
0x3a: {  	v4 =	vperm.xlane v3, v0;
	_ =	sdelay $0x1  }
0x3b: {  	v4 =	vadd.s32 v1, v4;
	_ =	sdelay $0x3  }
0x3c: {  	s4 =	rddreg [dreg:$0xc]  }
0x3d: {  	[tilespmem:s4], [sflag:$0x1] =	stream.indirect_vreg.gather [hbm4b:s2+s3], $0x80, v4, vm0, $0xb8;
	[tilespmem:$0x10800] =	vst v63  }
0x3e: {  	s8 =	rddreg [dreg:$0xd];
	v3 =	vperm.xlane v3, v2  }
0x3f: {  	[tilespmem:s8], [sflag:$0x1] =	stream.indirect_vreg.gather [hbm4b:s5+s3], $0x80, v4, vm0, $0xb8;
	[tilespmem:$0x10800] =	vst v63  }
0x40: {  	v3 =	vadd.s32 v1, v3;
	s4 =	rddreg [dreg:$0xe]  }
0x41: {  	[tilespmem:s4], [sflag:$0x1] =	stream.indirect_vreg.gather [hbm4b:s6+s3], $0x80, v4, vm0, $0xb8;
	[tilespmem:$0x10800] =	vst v63  }
0x42: {  	s8 =	rddreg [dreg:$0xf]  }
0x43: {  	[tilespmem:s8], [sflag:$0x1] =	stream.indirect_vreg.gather [hbm4b:s7+s3], $0x80, v4, vm0, $0xb8;
	[tilespmem:$0x10800] =	vst v63  }
0x44: {  	s4 =	rddreg [dreg:$0x10]  }
0x45: {  	[tilespmem:s4], [sflag:$0x1] =	stream.indirect_vreg.gather [hbm4b:s2+s3], $0x80, v3, vm0, $0xb8;
	[tilespmem:$0x10800] =	vst v63  }
0x46: {  	s8 =	rddreg [dreg:$0x11]  }
0x47: {  	[tilespmem:s8], [sflag:$0x1] =	stream.indirect_vreg.gather [hbm4b:s5+s3], $0x80, v3, vm0, $0xb8;
	[tilespmem:$0x10800] =	vst v63  }
0x48: {  	_ = 	snop  }
0x49: {  	[tilespmem:s11], [sflag:$0x1] =	stream.indirect_vreg.gather [hbm4b:s6+s3], $0x80, v3, vm0, $0xb8;
	[tilespmem:$0x10800] =	vst v63  }
0x4a: {  	_ = 	snop  }
0x4b: {  	[tilespmem:s12], [sflag:$0x1] =	stream.indirect_vreg.gather [hbm4b:s7+s3], $0x80, v3, vm0, $0xb8;
	[tilespmem:$0x10800] =	vst v63  }
0x4c: {  	v3 =	vld [tilespmem:s0+$0x0];
	_ =	sdelay $0x4  }
0x4d: {  	v62 =	vshll.u32 v3, $0x3  }
0x4e: {  	v3 =	vand.u32 $0x7, v3;
	v4 =	vand.u32 $0xFFFFFFC0, v62  }
0x4f: {  	v3 =	vor.u32 v3, v4  }
0x50: {  	v4 =	vperm.xlane v3, v0;
	_ =	sdelay $0x1  }
0x51: {  	v4 =	vadd.s32 v1, v4;
	_ =	sdelay $0x4  }
0x52: {  	[tilespmem:s13], [sflag:$0x1] =	stream.indirect_vreg.gather [hbm4b:s2+s3], $0x80, v4, vm0, $0xb8;
	[tilespmem:$0x10800] =	vst v63  }
0x53: {  	v3 =	vperm.xlane v3, v2  }
0x54: {  	[tilespmem:s14], [sflag:$0x1] =	stream.indirect_vreg.gather [hbm4b:s5+s3], $0x80, v4, vm0, $0xb8;
	[tilespmem:$0x10800] =	vst v63  }
0x55: {  	v3 =	vadd.s32 v1, v3  }
0x56: {  	[tilespmem:s15], [sflag:$0x1] =	stream.indirect_vreg.gather [hbm4b:s6+s3], $0x80, v4, vm0, $0xb8;
	[tilespmem:$0x10800] =	vst v63  }
0x57: {  	_ = 	snop  }
0x58: {  	[tilespmem:s16], [sflag:$0x1] =	stream.indirect_vreg.gather [hbm4b:s7+s3], $0x80, v4, vm0, $0xb8;
	[tilespmem:$0x10800] =	vst v63  }
0x59: {  	_ = 	snop  }
0x5a: {  	[tilespmem:s17], [sflag:$0x1] =	stream.indirect_vreg.gather [hbm4b:s2+s3], $0x80, v3, vm0, $0xb8;
	[tilespmem:$0x10800] =	vst v63  }
0x5b: {  	_ = 	snop  }
0x5c: {  	[tilespmem:s18], [sflag:$0x1] =	stream.indirect_vreg.gather [hbm4b:s5+s3], $0x80, v3, vm0, $0xb8;
	[tilespmem:$0x10800] =	vst v63  }
0x5d: {  	_ = 	snop  }
0x5e: {  	[tilespmem:s19], [sflag:$0x1] =	stream.indirect_vreg.gather [hbm4b:s6+s3], $0x80, v3, vm0, $0xb8;
	[tilespmem:$0x10800] =	vst v63  }
0x5f: {  	_ = 	snop  }
0x60: {  	[tilespmem:s20], [sflag:$0x1] =	stream.indirect_vreg.gather [hbm4b:s7+s3], $0x80, v3, vm0, $0xb8;
	[tilespmem:$0x10800] =	vst v63  }
0x61: {  	v3 =	vld [tilespmem:s0+$0x10];
	_ =	sdelay $0x4  }
0x62: {  	v63 =	vshll.u32 v3, $0x3  }
0x63: {  	v3 =	vand.u32 $0x7, v3;
	v4 =	vand.u32 $0xFFFFFFC0, v63  }
0x64: {  	v3 =	vor.u32 v3, v4  }
0x65: {  	v4 =	vperm.xlane v3, v0;
	_ =	sdelay $0x1  }
0x66: {  	v4 =	vadd.s32 v1, v4;
	_ =	sdelay $0x4  }
0x67: {  	[tilespmem:s21], [sflag:$0x1] =	stream.indirect_vreg.gather [hbm4b:s2+s3], $0x80, v4, vm0, $0xb8;
	[tilespmem:$0x10800] =	vst v63  }
0x68: {  	v3 =	vperm.xlane v3, v2  }
0x69: {  	[tilespmem:s22], [sflag:$0x1] =	stream.indirect_vreg.gather [hbm4b:s5+s3], $0x80, v4, vm0, $0xb8;
	[tilespmem:$0x10800] =	vst v63  }
0x6a: {  	v3 =	vadd.s32 v1, v3  }
0x6b: {  	[tilespmem:s23], [sflag:$0x1] =	stream.indirect_vreg.gather [hbm4b:s6+s3], $0x80, v4, vm0, $0xb8;
	[tilespmem:$0x10800] =	vst v63  }
0x6c: {  	_ = 	snop  }
0x6d: {  	[tilespmem:s24], [sflag:$0x1] =	stream.indirect_vreg.gather [hbm4b:s7+s3], $0x80, v4, vm0, $0xb8;
	[tilespmem:$0x10800] =	vst v63  }
0x6e: {  	_ = 	snop  }
0x6f: {  	[tilespmem:s25], [sflag:$0x1] =	stream.indirect_vreg.gather [hbm4b:s2+s3], $0x80, v3, vm0, $0xb8;
	[tilespmem:$0x10800] =	vst v63  }
0x70: {  	_ = 	snop  }
0x71: {  	[tilespmem:s26], [sflag:$0x1] =	stream.indirect_vreg.gather [hbm4b:s5+s3], $0x80, v3, vm0, $0xb8;
	[tilespmem:$0x10800] =	vst v63  }
0x72: {  	_ = 	snop  }
0x73: {  	[tilespmem:s28], [sflag:$0x1] =	stream.indirect_vreg.gather [hbm4b:s6+s3], $0x80, v3, vm0, $0xb8;
	[tilespmem:$0x10800] =	vst v63  }
0x74: {  	_ = 	snop  }
0x75: {  	[tilespmem:s29], [sflag:$0x1] =	stream.indirect_vreg.gather [hbm4b:s7+s3], $0x80, v3, vm0, $0xb8;
	[tilespmem:$0x10800] =	vst v63  }
0x76: {  	_ =	swait.ge [sflag:s30], $0x10000  }
0x77: {  	p0 =	sne.s32 s1, $0x1E000;
	s8 =	rddreg [dreg:$0x4];
	[sflag:s30] =	ssyncset.done $0x0  }
.Ltmp0:
0x78: {  	[sflag:s30] =	ssyncadd.s32 $0xFFFF0000;
	s4 =	sadd.s32 s1, s8;
	(pc) =	sbr.rel @p0 .LBB2_2-.Ltmp0, $4  }
0x79: {  	[hbm4b:s4+s3] =	stream.linear.scatter [tilespmem:s10], [sflag:$0x2], $0x10000, $0x38;
	[tilespmem:$0x10800] =	vst v63  }
0x7a: {  	_ =	swait.ge [sflag:s9], $0x10000  }
0x7b: {  	[sflag:s9] =	ssyncset.done $0x0  }
0x7c: {  	s0 =	sadd.s32 $0x80, s0;
	s1 =	sadd.s32 $0x2000, s1;
	[sflag:s9] =	ssyncadd.s32 $0xFFFF0000  }
0x7d: {  	s31 =	sadd.s32 $0x1, s31;
	s0 =	rddreg [dreg:$0x13]  }
0x7e: {  	p0 =	sne.s32 s31, s0  }
.Ltmp1:
0x7f: {  	_ = 	snop;
	(pc) =	sbr.rel @p0 .LBB2_1-.Ltmp1, $1  }
0x80: {  	_ =	sdelay $0x3  }
0x81: {  	_ =	sfence.sel $0x180000  }
0x82: {  	[bflag:$0x0] =	sbarrier.arrive $0xFFFF  }
0x83: {  	_ =	strace $0x90000047  }
0x84: {  	s0 =	stileid.u32;
	[bflag:$0x2] =	sbarrier.arrive $0xFFFF  }
0x85: {  	p0 =	sne.s32 s0, $0x0;
	s0 =	rddreg [dreg:$0x3]  }
0x86: {  	s0 =	sadd.s32 @!p0 $0x100000, s0  }
0x87: {  	[sflag:s0] =	ssyncadd.tile.s32 @!p0 $0x1;
	_ =	shalt  }
.Lfunc_end2:
_tile_overlayer_lowered:
.L_overlay_start_2:
0x88: {  	(tag) =	ssettag $0x2  }
0x89: {  	s0 =	rddreg [dreg:$0x0];
	s2 =	stileid.u32  }
0x8a: {  	s1 =	rddreg [dreg:$0x1];
	p0 =	sne.s32 s2, $0x0  }
0x8b: {  	s3 =	rddreg [dreg:$0x2];
	[bflag:$0x3] =	sbarrier.arrive $0xFFFF;
	s2 =	simm.s32 @!p0 $0x1C02  }
0x8c: {  	[timem:s3], [sflag:s2] =	dma.local @!p0 [hbm:s0], s1  }
0x8d: {  	s0 =	simm.s32 @!p0 $0x2  }
0x8e: {  	_ =	swait.ge @!p0 [sflag:s0], s1  }
0x8f: {  	s1 =	ssub.s32 @!p0 $0x0, s1;
	[sflag:s0] =	ssyncset.done @!p0 $0x0  }
0x90: {  	[sflag:s0] =	ssyncadd.s32 @!p0 s1  }
0x91: {  	[bflag:$0x3] =	sbarrier.arrive $0xFFFF  }
0x92: {  	_ =	shalt  }

</sc_bundles>
